<compile_context>
chip_gen: v7x
topology: tpu7x:2x2x1
jax: 0.10.2.dev20260603
libtpu: 0.0.44.dev20260713+nightly
codegen_flags: <defaults>
</compile_context>

<pallas_src>
import functools

import jax
import jax.numpy as jnp
from jax import lax
from jax.experimental import pallas as pl
from jax.experimental.pallas import tpu as pltpu
from jax.experimental.pallas import tpu_sc as plsc

N_CLASSES = 1000
N_CTX = 8
NAME_LEN = 77
OUT_LEN = N_CTX + NAME_LEN
CTX_DIM = 512

B = 10
RD = 4
NCHUNKS = N_CLASSES // B
PER_CORE = NCHUNKS // 2


def kernel(ctx, name_embeds):
    mesh = plsc.ScalarSubcoreMesh(axis_name="c", num_cores=2)

    @functools.partial(
        pl.kernel,
        mesh=mesh,
        out_type=jax.ShapeDtypeStruct((N_CLASSES, OUT_LEN, CTX_DIM), jnp.float32),
        scratch_types=[
            pltpu.VMEM_SHARED((RD, B, OUT_LEN, CTX_DIM), jnp.float32),
            pltpu.SemaphoreType.DMA((RD, 2)),
            pltpu.SemaphoreType.DMA((RD,)),
        ],
    )
    def _sc_concat(ctx_hbm, name_hbm, out_hbm, buf, gsems, ssems):
        cid = lax.axis_index("c")
        base = cid * PER_CORE

        def gathers(chunk, slot):
            c0 = chunk * B
            g1 = pltpu.make_async_copy(
                ctx_hbm.at[pl.ds(c0, B)],
                buf.at[slot, :, pl.ds(0, N_CTX)],
                gsems.at[slot, 0],
            )
            g2 = pltpu.make_async_copy(
                name_hbm.at[pl.ds(c0, B)],
                buf.at[slot, :, pl.ds(N_CTX, NAME_LEN)],
                gsems.at[slot, 1],
            )
            return g1, g2

        def scatter(chunk, slot):
            return pltpu.make_async_copy(
                buf.at[slot], out_hbm.at[pl.ds(chunk * B, B)], ssems.at[slot]
            )

        def body(k, _):
            slot = k % RD

            @pl.when(k >= RD)
            def _():
                scatter(base + k - RD, slot).wait()

            @pl.when(k < PER_CORE)
            def _():
                g1, g2 = gathers(base + k, slot)
                g1.start()
                g2.start()

            @pl.when((k >= 1) & (k <= PER_CORE))
            def _():
                prev = (k - 1) % RD
                g1, g2 = gathers(base + k - 1, prev)
                g1.wait()
                g2.wait()
                scatter(base + k - 1, prev).start()

            return 0

        lax.fori_loop(0, PER_CORE + 2, body, 0)
        scatter(base + PER_CORE - 2, (PER_CORE - 2) % RD).wait()
        scatter(base + PER_CORE - 1, (PER_CORE - 1) % RD).wait()

    return _sc_concat(ctx, name_embeds)

# --- scband reference (transcript-rebuilt; emitter-appended) ---
"""Pipeline reference for scband-prompt-learner-34849364640382 (READ-ONLY COPY).

The authoritative reference and input builder live on the scoring server;
editing this copy changes nothing except your own understanding.
"""

import jax, jax.numpy as jnp
import numpy as np

N_CLASSES = 1000
N_CTX = 8
NAME_LEN = 77
CTX_DIM = 512

def setup_inputs(seed: int = 0) -> dict:
    key = jax.random.key(seed)
    k1, k2 = jax.random.split(key)
    # learned context vectors, init ~ N(0, 0.02) as in the torch module
    ctx = jax.random.normal(k1, (N_CLASSES, N_CTX, CTX_DIM), dtype=jnp.float32) * 0.02
    # frozen token embeddings of the tokenized classnames (computed under no_grad in torch)
    name_embeds = jax.random.normal(k2, (N_CLASSES, NAME_LEN, CTX_DIM), dtype=jnp.float32)
    return {"ctx": ctx, "name_embeds": name_embeds}

def reference(ctx, name_embeds):
    # forward: prompts_embeds = cat([ctx, name_embeds], dim=1)
    prompts_embeds = jnp.concatenate([ctx, name_embeds], axis=1)
    return prompts_embeds

if __name__ == "__main__":
    import jax
    _d = setup_inputs()
    print(jax.jit(kernel)(*tuple(_d.values())))

</pallas_src>

<mosaic_0001>
#map = affine_map<(d0) -> (0, 0, 0)>
module attributes {stable_mosaic.version = 14 : i64} {
  func.func @_sc_concat(%arg0: i32, %arg1: memref<1000x8x512xf32, #tpu.memory_space<hbm>>, %arg2: memref<1000x77x512xf32, #tpu.memory_space<hbm>>, %arg3: memref<1000x85x512xf32, #tpu.memory_space<hbm>>, %arg4: memref<4x10x85x512xf32, #tpu.memory_space<vmem_shared>>, %arg5: memref<4x2x!tpu.dma_semaphore, #tpu.memory_space<semaphore_mem>>, %arg6: memref<4x!tpu.dma_semaphore, #tpu.memory_space<semaphore_mem>>) attributes {dimension_semantics = [#tpu.dimension_semantics<core_parallel>], iteration_bounds = array<i64: 2>, scalar_prefetch = 0 : i64, scratch_operands = 3 : i64, tpu.core_type = #tpu.core_type<sc_scalar_subcore>, window_params = [{transform_indices = #map}, {transform_indices = #map}, {transform_indices = #map}]} {
    %mul3A = arith.constant 50 : i32
    %mul3A_0 = arith.muli %arg0, %mul3A : i32
    %scan3A = arith.constant 0 : i32
    %scan3A_1 = arith.constant 0 : i32
    %scan3A_2 = arith.constant 52 : i32
    %scan3A_3 = arith.addi %scan3A_1, %scan3A_2 : i32
    %scan3A_4 = arith.constant 1 : i32
    %scan3A_5 = scf.for %scan3A_40 = %scan3A_1 to %scan3A_3 step %scan3A_4 iter_args(%scan3A_41 = %scan3A) -> (i32)  : i32 {
      %jit3A = arith.constant 4 : i32
      %eq3A = arith.constant 0 : i32
      %eq3A_42 = arith.cmpi eq, %jit3A, %eq3A : i32
      %jit3A_43 = arith.constant 1 : i32
      %select_n3A = arith.select %eq3A_42, %jit3A_43, %jit3A : i32
      %rem3A = arith.remsi %scan3A_40, %select_n3A : i32
      %ne3A = arith.constant 0 : i32
      %ne3A_44 = arith.cmpi ne, %rem3A, %ne3A : i32
      %lt3A = arith.constant 0 : i32
      %lt3A_45 = arith.cmpi slt, %rem3A, %lt3A : i32
      %lt3A_46 = arith.constant 0 : i32
      %lt3A_47 = arith.cmpi slt, %select_n3A, %lt3A_46 : i32
      %ne3A_48 = arith.xori %lt3A_45, %lt3A_47 : i1
      %and3A = arith.andi %ne3A_48, %ne3A_44 : i1
      %add3A_49 = arith.addi %rem3A, %select_n3A : i32
      %select_n3A_50 = arith.select %and3A, %add3A_49, %rem3A : i32
      %ge3A = arith.constant 4 : i32
      %ge3A_51 = arith.cmpi sge, %scan3A_40, %ge3A : i32
      %convert_element_type3A = arith.extui %ge3A_51 : i1 to i32
      %cond3A = arith.constant 0 : i32
      %cond3A_52 = arith.cmpi ne, %convert_element_type3A, %cond3A : i32
      scf.if %cond3A_52 {
        %add3A_66 = arith.addi %mul3A_0, %scan3A_40 : i32
        %sub3A_67 = arith.constant 4 : i32
        %sub3A_68 = arith.subi %add3A_66, %sub3A_67 : i32
        %mul3A_69 = arith.constant 10 : i32
        %mul3A_70 = arith.muli %sub3A_68, %mul3A_69 : i32
        %dma_wait3A_71 = tpu.memref_slice %arg6[%select_n3A_50] : memref<4x!tpu.dma_semaphore, #tpu.memory_space<semaphore_mem>> -> memref<1x!tpu.dma_semaphore, #tpu.memory_space<semaphore_mem>>
        %dma_wait3A_72 = tpu.memref_squeeze %dma_wait3A_71 : memref<1x!tpu.dma_semaphore, #tpu.memory_space<semaphore_mem>> -> memref<!tpu.dma_semaphore, #tpu.memory_space<semaphore_mem>>
        %dma_wait3A_73 = arith.constant 0 : i32
        %dma_wait3A_74 = arith.constant 0 : i32
        %dma_wait3A_75 = tpu.memref_slice %arg3[%mul3A_70, %dma_wait3A_73, %dma_wait3A_74] : memref<1000x85x512xf32, #tpu.memory_space<hbm>> -> memref<10x85x512xf32, #tpu.memory_space<hbm>>
        %dma_wait3A_76 = arith.constant 0 : i32
        %dma_wait3A_77 = arith.constant 0 : i32
        %dma_wait3A_78 = arith.constant 0 : i32
        %dma_wait3A_79 = tpu.memref_slice %arg4[%select_n3A_50, %dma_wait3A_76, %dma_wait3A_77, %dma_wait3A_78] : memref<4x10x85x512xf32, #tpu.memory_space<vmem_shared>> -> memref<1x10x85x512xf32, #tpu.memory_space<vmem_shared>>
        %dma_wait3A_80 = tpu.memref_squeeze %dma_wait3A_79 : memref<1x10x85x512xf32, #tpu.memory_space<vmem_shared>> -> memref<10x85x512xf32, #tpu.memory_space<vmem_shared>>
        tpu.wait_dma2 semaphore(%dma_wait3A_72 : memref<!tpu.dma_semaphore, #tpu.memory_space<semaphore_mem>>) src(%dma_wait3A_80 : memref<10x85x512xf32, #tpu.memory_space<vmem_shared>>) dst(%dma_wait3A_75 : memref<10x85x512xf32, #tpu.memory_space<hbm>>)
      } else {
      }
      %lt3A_53 = arith.constant 50 : i32
      %lt3A_54 = arith.cmpi slt, %scan3A_40, %lt3A_53 : i32
      %convert_element_type3A_55 = arith.extui %lt3A_54 : i1 to i32
      %cond3A_56 = arith.constant 0 : i32
      %cond3A_57 = arith.cmpi ne, %convert_element_type3A_55, %cond3A_56 : i32
      scf.if %cond3A_57 {
        %add3A_66 = arith.addi %mul3A_0, %scan3A_40 : i32
        %mul3A_67 = arith.constant 10 : i32
        %mul3A_68 = arith.muli %add3A_66, %mul3A_67 : i32
        %dma_start3A = arith.constant 0 : i32
        %dma_start3A_69 = tpu.memref_slice %arg5[%select_n3A_50, %dma_start3A] : memref<4x2x!tpu.dma_semaphore, #tpu.memory_space<semaphore_mem>> -> memref<1x1x!tpu.dma_semaphore, #tpu.memory_space<semaphore_mem>>
        %dma_start3A_70 = tpu.memref_squeeze %dma_start3A_69 : memref<1x1x!tpu.dma_semaphore, #tpu.memory_space<semaphore_mem>> -> memref<!tpu.dma_semaphore, #tpu.memory_space<semaphore_mem>>
        %dma_start3A_71 = arith.constant 0 : i32
        %dma_start3A_72 = arith.constant 0 : i32
        %dma_start3A_73 = arith.constant 0 : i32
        %dma_start3A_74 = tpu.memref_slice %arg4[%select_n3A_50, %dma_start3A_71, %dma_start3A_72, %dma_start3A_73] : memref<4x10x85x512xf32, #tpu.memory_space<vmem_shared>> -> memref<1x10x8x512xf32, #tpu.memory_space<vmem_shared>>
        %dma_start3A_75 = tpu.memref_squeeze %dma_start3A_74 : memref<1x10x8x512xf32, #tpu.memory_space<vmem_shared>> -> memref<10x8x512xf32, #tpu.memory_space<vmem_shared>>
        %dma_start3A_76 = arith.constant 0 : i32
        %dma_start3A_77 = arith.constant 0 : i32
        %dma_start3A_78 = tpu.memref_slice %arg1[%mul3A_68, %dma_start3A_76, %dma_start3A_77] : memref<1000x8x512xf32, #tpu.memory_space<hbm>> -> memref<10x8x512xf32, #tpu.memory_space<hbm>>
        tpu.enqueue_dma source(%dma_start3A_78 : memref<10x8x512xf32, #tpu.memory_space<hbm>>) target(%dma_start3A_75 : memref<10x8x512xf32, #tpu.memory_space<vmem_shared>>) target_semaphore(%dma_start3A_70 : memref<!tpu.dma_semaphore, #tpu.memory_space<semaphore_mem>>)
        %dma_start3A_79 = arith.constant 1 : i32
        %dma_start3A_80 = tpu.memref_slice %arg5[%select_n3A_50, %dma_start3A_79] : memref<4x2x!tpu.dma_semaphore, #tpu.memory_space<semaphore_mem>> -> memref<1x1x!tpu.dma_semaphore, #tpu.memory_space<semaphore_mem>>
        %dma_start3A_81 = tpu.memref_squeeze %dma_start3A_80 : memref<1x1x!tpu.dma_semaphore, #tpu.memory_space<semaphore_mem>> -> memref<!tpu.dma_semaphore, #tpu.memory_space<semaphore_mem>>
        %dma_start3A_82 = arith.constant 0 : i32
        %dma_start3A_83 = arith.constant 8 : i32
        %dma_start3A_84 = arith.constant 0 : i32
        %dma_start3A_85 = tpu.memref_slice %arg4[%select_n3A_50, %dma_start3A_82, %dma_start3A_83, %dma_start3A_84] : memref<4x10x85x512xf32, #tpu.memory_space<vmem_shared>> -> memref<1x10x77x512xf32, #tpu.memory_space<vmem_shared>>
        %dma_start3A_86 = tpu.memref_squeeze %dma_start3A_85 : memref<1x10x77x512xf32, #tpu.memory_space<vmem_shared>> -> memref<10x77x512xf32, #tpu.memory_space<vmem_shared>>
        %dma_start3A_87 = arith.constant 0 : i32
        %dma_start3A_88 = arith.constant 0 : i32
        %dma_start3A_89 = tpu.memref_slice %arg2[%mul3A_68, %dma_start3A_87, %dma_start3A_88] : memref<1000x77x512xf32, #tpu.memory_space<hbm>> -> memref<10x77x512xf32, #tpu.memory_space<hbm>>
        tpu.enqueue_dma source(%dma_start3A_89 : memref<10x77x512xf32, #tpu.memory_space<hbm>>) target(%dma_start3A_86 : memref<10x77x512xf32, #tpu.memory_space<vmem_shared>>) target_semaphore(%dma_start3A_81 : memref<!tpu.dma_semaphore, #tpu.memory_space<semaphore_mem>>)
      } else {
      }
      %ge3A_58 = arith.constant 1 : i32
      %ge3A_59 = arith.cmpi sge, %scan3A_40, %ge3A_58 : i32
      %le3A = arith.constant 50 : i32
      %le3A_60 = arith.cmpi sle, %scan3A_40, %le3A : i32
      %and3A_61 = arith.andi %ge3A_59, %le3A_60 : i1
      %convert_element_type3A_62 = arith.extui %and3A_61 : i1 to i32
      %cond3A_63 = arith.constant 0 : i32
      %cond3A_64 = arith.cmpi ne, %convert_element_type3A_62, %cond3A_63 : i32
      scf.if %cond3A_64 {
        %sub3A_66 = arith.constant 1 : i32
        %sub3A_67 = arith.subi %scan3A_40, %sub3A_66 : i32
        %jit3A_68 = arith.constant 4 : i32
        %eq3A_69 = arith.constant 0 : i32
        %eq3A_70 = arith.cmpi eq, %jit3A_68, %eq3A_69 : i32
        %jit3A_71 = arith.constant 1 : i32
        %select_n3A_72 = arith.select %eq3A_70, %jit3A_71, %jit3A_68 : i32
        %rem3A_73 = arith.remsi %sub3A_67, %select_n3A_72 : i32
        %ne3A_74 = arith.constant 0 : i32
        %ne3A_75 = arith.cmpi ne, %rem3A_73, %ne3A_74 : i32
        %lt3A_76 = arith.constant 0 : i32
        %lt3A_77 = arith.cmpi slt, %rem3A_73, %lt3A_76 : i32
        %lt3A_78 = arith.constant 0 : i32
        %lt3A_79 = arith.cmpi slt, %select_n3A_72, %lt3A_78 : i32
        %ne3A_80 = arith.xori %lt3A_77, %lt3A_79 : i1
        %and3A_81 = arith.andi %ne3A_80, %ne3A_75 : i1
        %add3A_82 = arith.addi %rem3A_73, %select_n3A_72 : i32
        %select_n3A_83 = arith.select %and3A_81, %add3A_82, %rem3A_73 : i32
        %add3A_84 = arith.addi %mul3A_0, %scan3A_40 : i32
        %sub3A_85 = arith.constant 1 : i32
        %sub3A_86 = arith.subi %add3A_84, %sub3A_85 : i32
        %mul3A_87 = arith.constant 10 : i32
        %mul3A_88 = arith.muli %sub3A_86, %mul3A_87 : i32
        %dma_wait3A_89 = arith.constant 0 : i32
        %dma_wait3A_90 = tpu.memref_slice %arg5[%select_n3A_83, %dma_wait3A_89] : memref<4x2x!tpu.dma_semaphore, #tpu.memory_space<semaphore_mem>> -> memref<1x1x!tpu.dma_semaphore, #tpu.memory_space<semaphore_mem>>
        %dma_wait3A_91 = tpu.memref_squeeze %dma_wait3A_90 : memref<1x1x!tpu.dma_semaphore, #tpu.memory_space<semaphore_mem>> -> memref<!tpu.dma_semaphore, #tpu.memory_space<semaphore_mem>>
        %dma_wait3A_92 = arith.constant 0 : i32
        %dma_wait3A_93 = arith.constant 0 : i32
        %dma_wait3A_94 = arith.constant 0 : i32
        %dma_wait3A_95 = tpu.memref_slice %arg4[%select_n3A_83, %dma_wait3A_92, %dma_wait3A_93, %dma_wait3A_94] : memref<4x10x85x512xf32, #tpu.memory_space<vmem_shared>> -> memref<1x10x8x512xf32, #tpu.memory_space<vmem_shared>>
        %dma_wait3A_96 = tpu.memref_squeeze %dma_wait3A_95 : memref<1x10x8x512xf32, #tpu.memory_space<vmem_shared>> -> memref<10x8x512xf32, #tpu.memory_space<vmem_shared>>
        %dma_wait3A_97 = arith.constant 0 : i32
        %dma_wait3A_98 = arith.constant 0 : i32
        %dma_wait3A_99 = tpu.memref_slice %arg1[%mul3A_88, %dma_wait3A_97, %dma_wait3A_98] : memref<1000x8x512xf32, #tpu.memory_space<hbm>> -> memref<10x8x512xf32, #tpu.memory_space<hbm>>
        tpu.wait_dma2 semaphore(%dma_wait3A_91 : memref<!tpu.dma_semaphore, #tpu.memory_space<semaphore_mem>>) src(%dma_wait3A_99 : memref<10x8x512xf32, #tpu.memory_space<hbm>>) dst(%dma_wait3A_96 : memref<10x8x512xf32, #tpu.memory_space<vmem_shared>>)
        %dma_wait3A_100 = arith.constant 1 : i32
        %dma_wait3A_101 = tpu.memref_slice %arg5[%select_n3A_83, %dma_wait3A_100] : memref<4x2x!tpu.dma_semaphore, #tpu.memory_space<semaphore_mem>> -> memref<1x1x!tpu.dma_semaphore, #tpu.memory_space<semaphore_mem>>
        %dma_wait3A_102 = tpu.memref_squeeze %dma_wait3A_101 : memref<1x1x!tpu.dma_semaphore, #tpu.memory_space<semaphore_mem>> -> memref<!tpu.dma_semaphore, #tpu.memory_space<semaphore_mem>>
        %dma_wait3A_103 = arith.constant 0 : i32
        %dma_wait3A_104 = arith.constant 8 : i32
        %dma_wait3A_105 = arith.constant 0 : i32
        %dma_wait3A_106 = tpu.memref_slice %arg4[%select_n3A_83, %dma_wait3A_103, %dma_wait3A_104, %dma_wait3A_105] : memref<4x10x85x512xf32, #tpu.memory_space<vmem_shared>> -> memref<1x10x77x512xf32, #tpu.memory_space<vmem_shared>>
        %dma_wait3A_107 = tpu.memref_squeeze %dma_wait3A_106 : memref<1x10x77x512xf32, #tpu.memory_space<vmem_shared>> -> memref<10x77x512xf32, #tpu.memory_space<vmem_shared>>
        %dma_wait3A_108 = arith.constant 0 : i32
        %dma_wait3A_109 = arith.constant 0 : i32
        %dma_wait3A_110 = tpu.memref_slice %arg2[%mul3A_88, %dma_wait3A_108, %dma_wait3A_109] : memref<1000x77x512xf32, #tpu.memory_space<hbm>> -> memref<10x77x512xf32, #tpu.memory_space<hbm>>
        tpu.wait_dma2 semaphore(%dma_wait3A_102 : memref<!tpu.dma_semaphore, #tpu.memory_space<semaphore_mem>>) src(%dma_wait3A_110 : memref<10x77x512xf32, #tpu.memory_space<hbm>>) dst(%dma_wait3A_107 : memref<10x77x512xf32, #tpu.memory_space<vmem_shared>>)
        %add3A_111 = arith.addi %mul3A_0, %scan3A_40 : i32
        %sub3A_112 = arith.constant 1 : i32
        %sub3A_113 = arith.subi %add3A_111, %sub3A_112 : i32
        %mul3A_114 = arith.constant 10 : i32
        %mul3A_115 = arith.muli %sub3A_113, %mul3A_114 : i32
        %dma_start3A = tpu.memref_slice %arg6[%select_n3A_83] : memref<4x!tpu.dma_semaphore, #tpu.memory_space<semaphore_mem>> -> memref<1x!tpu.dma_semaphore, #tpu.memory_space<semaphore_mem>>
        %dma_start3A_116 = tpu.memref_squeeze %dma_start3A : memref<1x!tpu.dma_semaphore, #tpu.memory_space<semaphore_mem>> -> memref<!tpu.dma_semaphore, #tpu.memory_space<semaphore_mem>>
        %dma_start3A_117 = arith.constant 0 : i32
        %dma_start3A_118 = arith.constant 0 : i32
        %dma_start3A_119 = tpu.memref_slice %arg3[%mul3A_115, %dma_start3A_117, %dma_start3A_118] : memref<1000x85x512xf32, #tpu.memory_space<hbm>> -> memref<10x85x512xf32, #tpu.memory_space<hbm>>
        %dma_start3A_120 = arith.constant 0 : i32
        %dma_start3A_121 = arith.constant 0 : i32
        %dma_start3A_122 = arith.constant 0 : i32
        %dma_start3A_123 = tpu.memref_slice %arg4[%select_n3A_83, %dma_start3A_120, %dma_start3A_121, %dma_start3A_122] : memref<4x10x85x512xf32, #tpu.memory_space<vmem_shared>> -> memref<1x10x85x512xf32, #tpu.memory_space<vmem_shared>>
        %dma_start3A_124 = tpu.memref_squeeze %dma_start3A_123 : memref<1x10x85x512xf32, #tpu.memory_space<vmem_shared>> -> memref<10x85x512xf32, #tpu.memory_space<vmem_shared>>
        tpu.enqueue_dma source(%dma_start3A_124 : memref<10x85x512xf32, #tpu.memory_space<vmem_shared>>) target(%dma_start3A_119 : memref<10x85x512xf32, #tpu.memory_space<hbm>>) target_semaphore(%dma_start3A_116 : memref<!tpu.dma_semaphore, #tpu.memory_space<semaphore_mem>>)
      } else {
      }
      %scan3A_65 = arith.constant 0 : i32
      scf.yield %scan3A_65 : i32
    }
    %scan3A_6 = arith.constant 52 : i32
    %add3A = arith.constant 50 : i32
    %add3A_7 = arith.addi %mul3A_0, %add3A : i32
    %sub3A = arith.constant 2 : i32
    %sub3A_8 = arith.subi %add3A_7, %sub3A : i32
    %mul3A_9 = arith.constant 10 : i32
    %mul3A_10 = arith.muli %sub3A_8, %mul3A_9 : i32
    %dma_wait3A = arith.constant 0 : i32
    %dma_wait3A_11 = arith.constant 0 : i32
    %dma_wait3A_12 = tpu.memref_slice %arg6[%dma_wait3A_11] : memref<4x!tpu.dma_semaphore, #tpu.memory_space<semaphore_mem>> -> memref<1x!tpu.dma_semaphore, #tpu.memory_space<semaphore_mem>>
    %dma_wait3A_13 = tpu.memref_squeeze %dma_wait3A_12 : memref<1x!tpu.dma_semaphore, #tpu.memory_space<semaphore_mem>> -> memref<!tpu.dma_semaphore, #tpu.memory_space<semaphore_mem>>
    %dma_wait3A_14 = arith.constant 0 : i32
    %dma_wait3A_15 = arith.constant 0 : i32
    %dma_wait3A_16 = tpu.memref_slice %arg3[%mul3A_10, %dma_wait3A_14, %dma_wait3A_15] : memref<1000x85x512xf32, #tpu.memory_space<hbm>> -> memref<10x85x512xf32, #tpu.memory_space<hbm>>
    %dma_wait3A_17 = arith.constant 0 : i32
    %dma_wait3A_18 = arith.constant 0 : i32
    %dma_wait3A_19 = arith.constant 0 : i32
    %dma_wait3A_20 = tpu.memref_slice %arg4[%dma_wait3A, %dma_wait3A_17, %dma_wait3A_18, %dma_wait3A_19] : memref<4x10x85x512xf32, #tpu.memory_space<vmem_shared>> -> memref<1x10x85x512xf32, #tpu.memory_space<vmem_shared>>
    %dma_wait3A_21 = tpu.memref_squeeze %dma_wait3A_20 : memref<1x10x85x512xf32, #tpu.memory_space<vmem_shared>> -> memref<10x85x512xf32, #tpu.memory_space<vmem_shared>>
    tpu.wait_dma2 semaphore(%dma_wait3A_13 : memref<!tpu.dma_semaphore, #tpu.memory_space<semaphore_mem>>) src(%dma_wait3A_21 : memref<10x85x512xf32, #tpu.memory_space<vmem_shared>>) dst(%dma_wait3A_16 : memref<10x85x512xf32, #tpu.memory_space<hbm>>)
    %add3A_22 = arith.constant 50 : i32
    %add3A_23 = arith.addi %mul3A_0, %add3A_22 : i32
    %sub3A_24 = arith.constant 1 : i32
    %sub3A_25 = arith.subi %add3A_23, %sub3A_24 : i32
    %mul3A_26 = arith.constant 10 : i32
    %mul3A_27 = arith.muli %sub3A_25, %mul3A_26 : i32
    %dma_wait3A_28 = arith.constant 1 : i32
    %dma_wait3A_29 = arith.constant 1 : i32
    %dma_wait3A_30 = tpu.memref_slice %arg6[%dma_wait3A_29] : memref<4x!tpu.dma_semaphore, #tpu.memory_space<semaphore_mem>> -> memref<1x!tpu.dma_semaphore, #tpu.memory_space<semaphore_mem>>
    %dma_wait3A_31 = tpu.memref_squeeze %dma_wait3A_30 : memref<1x!tpu.dma_semaphore, #tpu.memory_space<semaphore_mem>> -> memref<!tpu.dma_semaphore, #tpu.memory_space<semaphore_mem>>
    %dma_wait3A_32 = arith.constant 0 : i32
    %dma_wait3A_33 = arith.constant 0 : i32
    %dma_wait3A_34 = tpu.memref_slice %arg3[%mul3A_27, %dma_wait3A_32, %dma_wait3A_33] : memref<1000x85x512xf32, #tpu.memory_space<hbm>> -> memref<10x85x512xf32, #tpu.memory_space<hbm>>
    %dma_wait3A_35 = arith.constant 0 : i32
    %dma_wait3A_36 = arith.constant 0 : i32
    %dma_wait3A_37 = arith.constant 0 : i32
    %dma_wait3A_38 = tpu.memref_slice %arg4[%dma_wait3A_28, %dma_wait3A_35, %dma_wait3A_36, %dma_wait3A_37] : memref<4x10x85x512xf32, #tpu.memory_space<vmem_shared>> -> memref<1x10x85x512xf32, #tpu.memory_space<vmem_shared>>
    %dma_wait3A_39 = tpu.memref_squeeze %dma_wait3A_38 : memref<1x10x85x512xf32, #tpu.memory_space<vmem_shared>> -> memref<10x85x512xf32, #tpu.memory_space<vmem_shared>>
    tpu.wait_dma2 semaphore(%dma_wait3A_31 : memref<!tpu.dma_semaphore, #tpu.memory_space<semaphore_mem>>) src(%dma_wait3A_39 : memref<10x85x512xf32, #tpu.memory_space<vmem_shared>>) dst(%dma_wait3A_34 : memref<10x85x512xf32, #tpu.memory_space<hbm>>)
    return
  }
}

</mosaic_0001>

<sc_bundles>
// kernel: kernel.3.cloned.1.call-start
scs
__scs_entry_jumppad:
0x0: {  	(pc) =	sbr.rel $0x88, $3  }
0x1: {  	(tag) =	ssettag $0x0;
	lr =	simm.s32 $0x1  }
0x2: {  	[smem:$0x3F9F] =	sst lr;
	_ =	strace $0xD0000000  }
0x3: {  	_ = 	snop  }
0x4: {  	_ = 	snop  }
0x5: {  	_ = 	snop  }
0x6: {  	_ = 	snop  }
0x7: {  	_ = 	snop  }
__scs_overlays_trampoline_lowered:
0x8: {  	[smem:$0x3FAE] =	sst s0  }
0x9: {  	[smem:$0x3FAF] =	sst s1  }
0xa: {  	[smem:$0x3FB0] =	sst s2  }
0xb: {  	[smem:$0x3FB1] =	sst s3  }
0xc: {  	[smem:$0x3FB2] =	sst s4  }
0xd: {  	[smem:$0x3FB3] =	sst s5  }
0xe: {  	[smem:$0x3FB4] =	sst s6  }
0xf: {  	[smem:$0x3FB5] =	sst s7  }
0x10: {  	[smem:$0x3FB6] =	sst s8  }
0x11: {  	[smem:$0x3FB7] =	sst s9;
	s0 =	simm.s32 @!p0 $0x0  }
0x12: {  	s1 =	sld [smem:$0x3F9D];
	s0 =	simm.s32 @p0 $0x1  }
0x13: {  	[smem:$0x3FB8] =	sst s0;
	s0 =	simm.s32 @!p1 $0x0  }
0x14: {  	s2 =	sld [smem:$0x3F9C];
	s0 =	simm.s32 @p1 $0x1  }
0x15: {  	[smem:$0x3FB9] =	sst s0;
	s0 =	simm.s32 @!p2 $0x0  }
0x16: {  	s3 =	sld [smem:$0x3FDB];
	s0 =	simm.s32 @p2 $0x1  }
0x17: {  	s4 =	simm.s32 $0x1BF5;
	[smem:$0x3FBB] =	sst s0  }
0x18: {  	s0 =	sld [smem:$0x3F9E];
	_ =	swait.ge [sflag:s4], $0x0  }
0x19: {  	s7 =	sld [smem:$0x3F9F]  }
0x1a: {  	s8 =	sadd.s32 $0xFFFFE003, lr  }
0x1b: {  	s9 =	sadd.s32 $0xFFFFFEF7, lr;
	s5 =	simm.s32 $0xFFFFFFFF;
	p2 =	slt.u32 s8, $0xFFFFF086  }
0x1c: {  	p1 =	slt.u32 s9, $0xF7A;
	s5 =	simm.s32 @!p2 $0x0  }
0x1d: {  	s5 =	simm.s32 @p1 $0x1;
	p0 =	seq.s32 s7, s2  }
0x1e: {  	s7 =	smul.u32 @!p0 $0xF7A, s2;
	p2 =	seq.s32 @!p0 s5, $0x0  }
0x1f: {  	s9 =	smul.u32 $0xF7A, s1;
	s8 =	simm.s32 @!p0 $0x1BF5;
	p2 =	por !p2, p0  }
0x20: {  	[sflag:s8] =	ssyncset.s32 @!p0 $0xFFFFF086;
	s6 =	sadd.s32 @!p0 s3, s7;
	s7 =	simm.s32 @!p0 $0x108  }
0x21: {  	s3 =	sadd.s32 s3, s9;
	s6 =	sadd.s32 @!p0 $0x88, s6;
	s7 =	simm.s32 @p2 $0x1082  }
0x22: {  	[simem:s7], [sflag:s8] =	dma.local @!p0 [hbm:s6], $0xF7A  }
0x23: {  	s9 =	sor.u32 $0xD0000000, s2;
	s6 =	simm.s32 $0x108;
	_ =	swait.ge @!p0 [sflag:s8], $0x0  }
0x24: {  	s3 =	sadd.s32 $0x88, s3;
	s6 =	simm.s32 @!p1 $0x1082;
	[sflag:s4] =	ssyncset.s32 $0xFFFFF086  }
0x25: {  	[simem:s6], [sflag:s4] =	dma.local [hbm:s3], $0xF7A  }
0x26: {  	[smem:$0x3F9F] =	sst s1;
	(tag) =	ssettag s2;
	_ =	strace s9  }
0x27: {  	s1 =	sld [smem:$0x3FAF]  }
0x28: {  	s2 =	sld [smem:$0x3FB0]  }
0x29: {  	s4 =	sld [smem:$0x3FB2]  }
0x2a: {  	p0 =	seq.s32 s5, $0x0;
	s5 =	sld [smem:$0x3FB3]  }
0x2b: {  	s6 =	sld [smem:$0x3FB4]  }
0x2c: {  	s7 =	sld [smem:$0x3FB5]  }
0x2d: {  	s3 =	simm.s32 $0x108;
	s8 =	sld [smem:$0x3FB6]  }
0x2e: {  	s3 =	simm.s32 @!p0 $0x1082;
	s9 =	sld [smem:$0x3FB7]  }
0x2f: {  	lr =	sadd.s32 s0, s3;
	s0 =	sld [smem:$0x3FAE]  }
0x30: {  	s3 =	sld [smem:$0x3FB1]  }
0x31: {  	[smem:$0x3FBA] =	sst s10  }
0x32: {  	s10 =	sld [smem:$0x3FB8];
	_ =	sdelay $0x3  }
0x33: {  	p0 =	seq.s32 s10, $0x1;
	s10 =	sld [smem:$0x3FBA];
	_ =	sdelay $0x3  }
0x34: {  	[smem:$0x3FBA] =	sst s10  }
0x35: {  	s10 =	sld [smem:$0x3FB9];
	_ =	sdelay $0x3  }
0x36: {  	p1 =	seq.s32 s10, $0x1;
	s10 =	sld [smem:$0x3FBA];
	_ =	sdelay $0x3  }
0x37: {  	[smem:$0x3FBA] =	sst s10  }
0x38: {  	s10 =	sld [smem:$0x3FBB]  }
0x39: {  	_ = 	snop;
	(pc) =	sbr.ind lr, $3  }
0x3a: {  	_ = 	snop  }
0x3b: {  	_ = 	snop  }
0x3c: {  	p2 =	seq.s32 s10, $0x1;
	s10 =	sld [smem:$0x3FBA]  }
0x3d: {  	_ =	shalt  }
0x3e: {  	_ =	shalt  }
0x3f: {  	_ =	shalt  }
0x40: {  	_ =	shalt  }
0x41: {  	_ =	shalt  }
0x42: {  	_ =	shalt  }
0x43: {  	_ =	shalt  }
0x44: {  	_ =	shalt  }
0x45: {  	_ =	shalt  }
0x46: {  	_ =	shalt  }
0x47: {  	_ =	shalt  }
0x48: {  	_ =	shalt  }
0x49: {  	_ =	shalt  }
0x4a: {  	_ =	shalt  }
0x4b: {  	_ =	shalt  }
0x4c: {  	_ =	shalt  }
0x4d: {  	_ =	shalt  }
0x4e: {  	_ =	shalt  }
0x4f: {  	_ =	shalt  }
0x50: {  	_ =	shalt  }
0x51: {  	_ =	shalt  }
0x52: {  	_ =	shalt  }
0x53: {  	_ =	shalt  }
0x54: {  	_ =	shalt  }
0x55: {  	_ =	shalt  }
0x56: {  	_ =	shalt  }
0x57: {  	_ =	shalt  }
0x58: {  	_ =	shalt  }
0x59: {  	_ =	shalt  }
0x5a: {  	_ =	shalt  }
0x5b: {  	_ =	shalt  }
0x5c: {  	_ =	shalt  }
0x5d: {  	_ =	shalt  }
0x5e: {  	_ =	shalt  }
0x5f: {  	_ =	shalt  }
0x60: {  	_ =	shalt  }
0x61: {  	_ =	shalt  }
0x62: {  	_ =	shalt  }
0x63: {  	_ =	shalt  }
0x64: {  	_ =	shalt  }
0x65: {  	_ =	shalt  }
0x66: {  	_ =	shalt  }
0x67: {  	_ =	shalt  }
0x68: {  	_ =	shalt  }
0x69: {  	_ =	shalt  }
0x6a: {  	_ =	shalt  }
0x6b: {  	_ =	shalt  }
0x6c: {  	_ =	shalt  }
0x6d: {  	_ =	shalt  }
0x6e: {  	_ =	shalt  }
0x6f: {  	_ =	shalt  }
0x70: {  	_ =	shalt  }
0x71: {  	_ =	shalt  }
0x72: {  	_ =	shalt  }
0x73: {  	_ =	shalt  }
0x74: {  	_ =	shalt  }
0x75: {  	_ =	shalt  }
0x76: {  	_ =	shalt  }
0x77: {  	_ =	shalt  }
0x78: {  	_ =	shalt  }
0x79: {  	_ =	shalt  }
0x7a: {  	_ =	shalt  }
0x7b: {  	_ =	shalt  }
0x7c: {  	_ =	shalt  }
0x7d: {  	_ =	shalt  }
0x7e: {  	_ =	shalt  }
0x7f: {  	_ =	shalt  }
0x80: {  	_ =	shalt  }
0x81: {  	_ =	shalt  }
0x82: {  	_ =	shalt  }
0x83: {  	_ =	shalt  }
0x84: {  	_ =	shalt  }
0x85: {  	_ =	shalt  }
0x86: {  	_ =	shalt  }
0x87: {  	_ =	shalt  }
.Lfunc_end0:
.L_simem_size_0:
called_computation_lowered:
.L_overlay_start_0:
0x88: {  	s2 =	sld [smem:$0x3FD9]  }
0x89: {  	s3 =	sld [smem:$0x3FFE];
	_ =	sdelay $0x1  }
0x8a: {  	s1 =	srdreg.scid  }
0x8b: {  	s0 =	sand.u32 $0x1, s1  }
0x8c: {  	s28 =	sshll.u32 s0, $0xA;
	s2 =	sadd.s32 s3, s2  }
0x8d: {  	s2 =	sadd.s32 s2, s28  }
0x8e: {  	[smem:$0x3FC6] =	sst s2  }
0x8f: {  	_ = 	snop  }
0x90: {  	s2 =	simm.s32 $0x0;
	s5 =	sld [smem:$0x3FC9]  }
0x91: {  	[smem:$0xF] =	sst s2  }
0x92: {  	s4 =	sld [smem:$0x3FD0];
	(tm) =	ssettm $0x1  }
0x93: {  	s29 =	sld [smem:$0x3FFB];
	_ =	sdelay $0x3  }
0x94: {  	_ =	strace s29  }
0x95: {  	s3 =	sld [smem:$0x3FFC];
	_ =	sdelay $0x3  }
0x96: {  	_ =	strace s3  }
0x97: {  	s3 =	sld [smem:$0x3FFD];
	_ =	sdelay $0x3  }
0x98: {  	_ =	strace s3  }
0x99: {  	s30 =	simm.s32 $0x1B8B;
	s31 =	simm.s32 $0x1B8E;
	_ =	strace $0x8FFFFFFF  }
0x9a: {  	s10 =	simm.s32 $0x140;
	s7 =	smul.u32 $0x271000, s0;
	_ =	swait.ge [sflag:s30], $0x1  }
0x9b: {  	s8 =	smul.u32 $0x3E800, s0;
	[sflag:s30] =	ssyncset.done $0x0;
	s6 =	sld [smem:$0x3FFE]  }
0x9c: {  	s11 =	simm.s32 $0x1400;
	s9 =	smul.u32 $0x157C000, s0;
	[sflag:s30] =	ssyncadd.s32 $0xFFFFFFFF  }
0x9d: {  	s4 =	sadd.s32 s7, s4;
	s5 =	sadd.s32 s8, s5;
	[smem:$0x3FD2] =	sst s31  }
0x9e: {  	s7 =	simm.s32 $0x20;
	s8 =	simm.s32 $0x1600;
	_ =	strace $0x80000046  }
0x9f: {  	s3 =	sadd.s32 $0x400, s6;
	s6 =	sadd.s32 $0xFFF92000, s9;
	s9 =	simm.s32 $0x200  }
.LBB1_1:
0xa0: {  	s12 =	sand.u32 $0x3, s2;
	p0 =	slt.u32 s2, $0x4  }
0xa1: {  	s13 =	sadd.s32 @!p0 $0x11, s12  }
0xa2: {  	p1 =	sgt.u32 @!p0 s2, $0x31;
	_ =	swait.ge @!p0 [sflag:s13], $0xDC00  }
0xa3: {  	p1 =	por p0, !p1;
	[sflag:s13] =	ssyncset.done @!p0 $0x0  }
0xa4: {  	[sflag:s13] =	ssyncadd.s32 @!p0 $0xFFFF2400;
	s13 =	smul.u32 @p1 $0x1B8000, s12  }
0xa5: {  	s12 =	sshll.u32 @p1 s12, $0x1  }
0xa6: {  	s14 =	sor.u32 @p1 $0x9, s12;
	s13 =	sshrl.u32 @p1 s13, $0x5  }
0xa7: {  	[spmem:s13@s8], [sflag:s14] =	dma.strided @p1 [hbm:s5@s9], $0x1400, s7, $0x10   }
0xa8: {  	p0 =	seq.s32 s2, $0x0;
	s12 =	sadd.s32 @p1 $0xA, s12;
	s13 =	sor.u32 @p1 $0x200, s13  }
0xa9: {  	[spmem:s13@s8], [sflag:s12] =	dma.strided @p1 [hbm:s4@s11], $0xC800, s10, $0x10   }
0xaa: {  	p1 =	seq.s32 @!p0 s2, $0x33  }
0xab: {  	p0 =	por p1, p0  }
0xac: {  	s12 =	sadd.s32 @!p0 $0xFFFFFFFF, s2  }
0xad: {  	s12 =	sand.u32 @!p0 $0x3, s12  }
0xae: {  	s13 =	sshll.u32 @!p0 s12, $0x1  }
0xaf: {  	s14 =	sor.u32 @!p0 $0x9, s13  }
0xb0: {  	_ =	swait.ge @!p0 [sflag:s14], $0x1400  }
0xb1: {  	[sflag:s14] =	ssyncset.done @!p0 $0x0  }
0xb2: {  	[sflag:s14] =	ssyncadd.s32 @!p0 $0xFFFFEC00;
	_ =	sdelay $0x1  }
0xb3: {  	s13 =	sadd.s32 @!p0 $0xA, s13  }
0xb4: {  	_ =	swait.ge @!p0 [sflag:s13], $0xC800  }
0xb5: {  	s14 =	smul.u32 @!p0 $0x1B8000, s12;
	[sflag:s13] =	ssyncset.done @!p0 $0x0  }
0xb6: {  	s2 =	sadd.s32 $0x1, s2;
	[sflag:s13] =	ssyncadd.s32 @!p0 $0xFFFF3800;
	s13 =	sshrl.u32 @!p0 s6, $0x3  }
0xb7: {  	s12 =	sadd.s32 @!p0 $0x11, s12;
	s14 =	sshrl.u32 @!p0 s14, $0x5;
	s13 =	sadd.s32 @!p0 s3, s13  }
0xb8: {  	[hbm:s13], [sflag:s12] =	dma.local @!p0 [spmem:s14], $0xDC00  }
0xb9: {  	p0 =	sne.s32 s2, $0x34  }
0xba: {  	s2 =	simm.s32 @!p0 $0x11  }
0xbb: {  	_ =	swait.ge @!p0 [sflag:s2], $0xDC00  }
0xbc: {  	[sflag:s2] =	ssyncset.done @!p0 $0x0  }
0xbd: {  	[sflag:s2] =	ssyncadd.s32 @!p0 $0xFFFF2400;
	_ =	sdelay $0x1  }
0xbe: {  	s2 =	simm.s32 @!p0 $0x12  }
0xbf: {  	_ =	swait.ge @!p0 [sflag:s2], $0xDC00  }
0xc0: {  	[sflag:s2] =	ssyncset.done @!p0 $0x0  }
0xc1: {  	[sflag:s2] =	ssyncadd.s32 @!p0 $0xFFFF2400  }
0xc2: {  	_ =	strace @!p0 $0x90000046  }
0xc3: {  	_ =	sfence @!p0  }
0xc4: {  	s2 =	sld @!p0 [smem:$0x0];
	_ =	sdelay $0x2  }
0xc5: {  	s3 =	sshll.u32 @!p0 s1, $0xD;
	s1 =	sshrl.u32 @!p0 s1, $0x2  }
0xc6: {  	s1 =	sadd.s32 @!p0 s1, s2;
	s2 =	sand.u32 @!p0 $0x4000, s3  }
0xc7: {  	s0 =	sor.u32 @!p0 s2, s0;
	s1 =	sshll.u32 @!p0 s1, $0x11  }
0xc8: {  	s0 =	sor.u32 @!p0 s1, s0  }
0xc9: {  	s0 =	sadd.s32 @!p0 $0x8F2B, s0;
	(pc) =	sbr.abs @!p0 _section_cstart, $3  }
0xca: {  	[sflag:s0] =	ssyncadd.remote.s32 @!p0 $0x1  }
0xcb: {  	s5 =	sadd.s32 $0x1400, s5;
	_ =	strace @!p0 $0x9FFFFFFF  }
0xcc: {  	s4 =	sadd.s32 $0xC800, s4;
	s6 =	sadd.s32 $0x6E000, s6;
	(tm) =	ssettm @!p0 $0x7FFFFFFF  }
.Ltmp0:
0xcd: {  	_ = 	snop;
	(pc) =	sbr.rel .LBB1_1-.Ltmp0, $1  }
0xce: {  	_ =	sdelay $0x2  }
0xcf: {  	_ =	shalt  }

</sc_bundles>
